<compile_context>
chip_gen: v7x
topology: tpu7x:2x2x1
jax: 0.10.2.dev20260603
libtpu: 0.0.44.dev20260713+nightly
codegen_flags: <defaults>
</compile_context>

<pallas_src>
import functools

import jax
import jax.numpy as jnp
from jax import lax
from jax.experimental import pallas as pl
from jax.experimental.pallas import tpu as pltpu
from jax.experimental.pallas import tpu_sc as plsc

N, T = 64, 16
NT = N * T
GPT_DIM = 1024
G, C, D = 2, 1024, 256
WA = 5 * 7
HID = 512



def _bin_head_body(x_ref, wbin_ref, bbin_ref, logits_ref, centers_ref):
    x = x_ref[...]
    logits = jnp.dot(x, wbin_ref[...], preferred_element_type=jnp.float32)
    logits = logits + bbin_ref[...]
    logits_ref[...] = logits
    bt = logits.shape[0]
    iota = jax.lax.broadcasted_iota(jnp.int32, (bt, C), 1)
    for g in range(G):
        lg = logits[:, g * C:(g + 1) * C]
        m = jnp.max(lg, axis=1, keepdims=True)
        idx = jnp.where(lg >= m, iota, jnp.int32(2 ** 30))
        centers_ref[:, g] = jnp.min(idx, axis=1)


def _bin_head(xf, W_bin, b_bin):
    BT = 256
    grid = (NT // BT,)
    return pl.pallas_call(
        _bin_head_body,
        grid=grid,
        in_specs=[
            pl.BlockSpec((BT, GPT_DIM), lambda i: (i, 0)),
            pl.BlockSpec((GPT_DIM, G * C), lambda i: (0, 0)),
            pl.BlockSpec((1, G * C), lambda i: (0, 0)),
        ],
        out_specs=[
            pl.BlockSpec((BT, G * C), lambda i: (i, 0)),
            pl.BlockSpec((BT, G), lambda i: (i, 0)),
        ],
        out_shape=[
            jax.ShapeDtypeStruct((NT, G * C), jnp.float32),
            jax.ShapeDtypeStruct((NT, G), jnp.int32),
        ],
    )(xf, W_bin, b_bin.reshape(1, G * C))



CBLK = 1280
NBLK = (G * C * WA) // CBLK


def _sweep_body(xbf_ref, w_ref, colcode_ref, centers_ref, out_ref):
    b = pl.program_id(0)
    wblk = w_ref[...].astype(jnp.bfloat16)
    y = jnp.dot(xbf_ref[...], wblk, preferred_element_type=jnp.float32)
    col_code = colcode_ref[...]
    gc0 = centers_ref[:, 0:1]
    gc1 = centers_ref[:, 1:2] + C
    m = ((col_code == gc0) | (col_code == gc1)).astype(jnp.float32)
    jf = jax.lax.broadcasted_iota(jnp.int32, (CBLK, WA), 0).astype(jnp.float32)
    jf = jf + (b * CBLK).astype(jnp.float32)
    jmod = jf - jnp.floor(jf * (1.0 / WA) + 0.5 / WA) * WA
    of = jax.lax.broadcasted_iota(jnp.int32, (CBLK, WA), 1).astype(jnp.float32)
    r = (jmod == of).astype(jnp.float32)
    part = jnp.dot(y * m, r, preferred_element_type=jnp.float32)

    @pl.when(b == 0)
    def _():
        out_ref[...] = jnp.zeros_like(out_ref)

    out_ref[...] += part



_NC, _NS = 2, 16
_NW = _NC * _NS
_TPW = NT // _NW


def _sc_z_body(cb_ref, gc0_ref, gc1_ref, out_ref,
               i0_v, i1_v, z0_v, z1_v, sem0, sem1):
    wid = lax.axis_index("s") * _NC + lax.axis_index("c")
    base = wid * _TPW
    pltpu.sync_copy(gc0_ref.at[pl.ds(base, _TPW)], i0_v)
    pltpu.sync_copy(gc1_ref.at[pl.ds(base, _TPW)], i1_v)
    c0 = pltpu.async_copy(cb_ref.at[i0_v], z0_v, sem0)
    c1 = pltpu.async_copy(cb_ref.at[i1_v], z1_v, sem1)
    c0.wait()
    c1.wait()

    def tok_body(t, _):
        def ch_body(c, _):
            z0_v[t, pl.ds(c * 16, 16)] += z1_v[t, pl.ds(c * 16, 16)]
            return 0
        lax.fori_loop(0, D // 16, ch_body, 0)
        return 0

    lax.fori_loop(0, _TPW, tok_body, 0)
    pltpu.sync_copy(z0_v, out_ref.at[pl.ds(base, _TPW)])


def _sc_z_embed(cb2, gc0, gc1):
    mesh = plsc.VectorSubcoreMesh(core_axis_name="c", subcore_axis_name="s")
    f = functools.partial(
        pl.kernel,
        mesh=mesh,
        out_type=jax.ShapeDtypeStruct((NT, D), jnp.float32),
        scratch_types=[
            pltpu.VMEM((_TPW,), jnp.int32),
            pltpu.VMEM((_TPW,), jnp.int32),
            pltpu.VMEM((_TPW, D), jnp.float32),
            pltpu.VMEM((_TPW, D), jnp.float32),
            pltpu.SemaphoreType.DMA,
            pltpu.SemaphoreType.DMA,
        ],
        compiler_params=pltpu.CompilerParams(use_tc_tiling_on_sc=False),
    )(_sc_z_body)
    return f(cb2, gc0, gc1)


def _offsets_head(xbf, W_off, col_code, centers):
    return pl.pallas_call(
        _sweep_body,
        grid=(NBLK,),
        in_specs=[
            pl.BlockSpec((NT, GPT_DIM), lambda b: (0, 0)),
            pl.BlockSpec((GPT_DIM, CBLK), lambda b: (0, b)),
            pl.BlockSpec((1, CBLK), lambda b: (0, b)),
            pl.BlockSpec((NT, G), lambda b: (0, 0)),
        ],
        out_specs=pl.BlockSpec((NT, WA), lambda b: (0, 0)),
        out_shape=jax.ShapeDtypeStruct((NT, WA), jnp.float32),
    )(xbf, W_off, col_code, centers)



def _decode_body(centers_ref, z_ref, boff_ref, w1_ref, b1_ref, w2_ref,
                 b2_ref, w3_ref, b3_ref, off_ref, dec_ref, pred_ref):
    centers = centers_ref[...]
    iota = jax.lax.broadcasted_iota(jnp.int32, (NT, G * C), 1)
    gc0 = centers[:, 0:1]
    gc1 = centers[:, 1:2] + C
    onehot = ((iota == gc0) | (iota == gc1)).astype(jnp.float32)
    z = z_ref[...]
    h = jnp.maximum(jnp.dot(z, w1_ref[...], preferred_element_type=jnp.float32)
                    + b1_ref[...], 0.0)
    h = jnp.maximum(jnp.dot(h, w2_ref[...], preferred_element_type=jnp.float32)
                    + b2_ref[...], 0.0)
    dec = jnp.dot(h, w3_ref[...], preferred_element_type=jnp.float32) + b3_ref[...]
    boff_sum = jnp.dot(onehot, boff_ref[...], preferred_element_type=jnp.float32)
    dec_ref[...] = dec
    pred_ref[...] = dec + off_ref[...] + boff_sum


def _decode(centers, z_embed, b_off, dec_W1, dec_b1, dec_W2, dec_b2,
            dec_W3, dec_b3, offsets):
    return pl.pallas_call(
        _decode_body,
        out_shape=[
            jax.ShapeDtypeStruct((NT, WA), jnp.float32),
            jax.ShapeDtypeStruct((NT, WA), jnp.float32),
        ],
    )(
        centers,
        z_embed,
        b_off.reshape(G * C, WA),
        dec_W1, dec_b1.reshape(1, HID),
        dec_W2, dec_b2.reshape(1, HID),
        dec_W3, dec_b3.reshape(1, WA),
        offsets,
    )


def kernel(x, W_bin, b_bin, W_off, b_off, codebooks, dec_W1, dec_b1,
           dec_W2, dec_b2, dec_W3, dec_b3):
    xf = x.reshape(NT, GPT_DIM)
    logits, centers = _bin_head(xf, W_bin, b_bin)
    xbf = xf.astype(jnp.bfloat16)
    gc0 = centers[:, 0]
    gc1 = centers[:, 1] + jnp.int32(C)
    z_embed = _sc_z_embed(codebooks.reshape(G * C, D), gc0, gc1)
    col_code = (jnp.arange(G * C * WA, dtype=jnp.int32) // WA).reshape(1, -1)
    offsets = _offsets_head(xbf, W_off, col_code, centers)
    decoded, predicted = _decode(centers, z_embed, b_off, dec_W1, dec_b1,
                                 dec_W2, dec_b2, dec_W3, dec_b3, offsets)
    cbet_logits = logits.reshape(NT, G, C)
    predicted_action = predicted.reshape(N, T, WA)
    decoded_action = decoded.reshape(NT, 5, 7)
    return cbet_logits, predicted_action, centers, decoded_action

# --- scband reference (transcript-rebuilt; emitter-appended) ---
"""Pipeline reference for scband-vqbe-thead-37271726195017 (READ-ONLY COPY).

The authoritative reference and input builder live on the scoring server;
editing this copy changes nothing except your own understanding.
"""

import jax, jax.numpy as jnp
import numpy as np

N, T = 64, 16
GPT_DIM = 1024
G, C, D = 2, 1024, 256
W, A = 5, 7
HID = 512
TEMP = 0.1


def setup_inputs(seed: int = 0) -> dict:
    key = jax.random.key(seed)
    ks = jax.random.split(key, 12)
    inp = {}
    inp["x"] = jax.random.normal(ks[0], (N, T, GPT_DIM), dtype=jnp.float32)
    inp["W_bin"] = jax.random.normal(ks[1], (GPT_DIM, G * C), dtype=jnp.float32) * 0.02
    inp["b_bin"] = jnp.zeros((G * C,), dtype=jnp.float32)
    inp["W_off"] = jax.random.normal(ks[2], (GPT_DIM, G * C * W * A), dtype=jnp.float32) * 0.02
    inp["b_off"] = jnp.zeros((G * C * W * A,), dtype=jnp.float32)
    inp["codebooks"] = jax.random.normal(ks[3], (G, C, D), dtype=jnp.float32)
    inp["dec_W1"] = jax.random.normal(ks[4], (D, HID), dtype=jnp.float32) * 0.05
    inp["dec_b1"] = jnp.zeros((HID,), dtype=jnp.float32)
    inp["dec_W2"] = jax.random.normal(ks[5], (HID, HID), dtype=jnp.float32) * 0.05
    inp["dec_b2"] = jnp.zeros((HID,), dtype=jnp.float32)
    inp["dec_W3"] = jax.random.normal(ks[6], (HID, W * A), dtype=jnp.float32) * 0.05
    inp["dec_b3"] = jnp.zeros((W * A,), dtype=jnp.float32)
    return inp


def reference(x, W_bin, b_bin, W_off, b_off, codebooks, dec_W1, dec_b1, dec_W2, dec_b2, dec_W3, dec_b3):
    n, t, _ = x.shape
    NT = n * t
    xf = x.reshape(NT, -1)
    # bin (code) prediction head
    cbet_logits = (xf @ W_bin + b_bin).reshape(NT, G, C)
    cbet_probs = jax.nn.softmax(cbet_logits / TEMP, axis=-1)
    # deterministic mode of the multinomial sampling used in torch
    sampled_centers = jnp.argmax(cbet_probs, axis=-1)  # int [NT, G]
    # offset prediction head
    cbet_offsets = (xf @ W_off + b_off).reshape(NT, G, C, W * A)
    sampled_offsets = jnp.take_along_axis(
        cbet_offsets, sampled_centers[:, :, None, None], axis=2
    )
    sampled_offsets = jnp.squeeze(sampled_offsets, axis=2).sum(axis=1)  # [NT, W*A]
    # residual-VQ codebook lookup (no_grad in torch)
    z_embed = codebooks[jnp.arange(G)[None, :], sampled_centers]  # [NT, G, D]
    z_embed = jax.lax.stop_gradient(jnp.sum(z_embed, axis=1))  # sum over quantizers
    # decoder MLP (no_grad in torch)
    h = jax.nn.relu(z_embed @ dec_W1 + dec_b1)
    h = jax.nn.relu(h @ dec_W2 + dec_b2)
    dec_out = h @ dec_W3 + dec_b3
    decoded_action = jax.lax.stop_gradient(dec_out.reshape(NT, W, A))
    predicted_action = decoded_action + sampled_offsets.reshape(NT, W, A)
    predicted_action = predicted_action.reshape(n, t, W * A)
    return cbet_logits, predicted_action, sampled_centers, decoded_action

if __name__ == "__main__":
    import jax
    _d = setup_inputs()
    print(jax.jit(kernel)(*tuple(_d.values())))

</pallas_src>

<mosaic_0001>
#map = affine_map<(d0, d1) -> (0, 0)>
#map1 = affine_map<(d0, d1) -> (0)>
module attributes {stable_mosaic.version = 14 : i64} {
  func.func @_sc_z_body(%arg0: i32, %arg1: i32, %arg2: memref<2048x256xf32, #tpu.memory_space<hbm>>, %arg3: memref<1024xi32, #tpu.memory_space<hbm>>, %arg4: memref<1024xi32, #tpu.memory_space<hbm>>, %arg5: memref<1024x256xf32, #tpu.memory_space<hbm>>, %arg6: memref<32xi32, #tpu.memory_space<vmem>>, %arg7: memref<32xi32, #tpu.memory_space<vmem>>, %arg8: memref<32x256xf32, #tpu.memory_space<vmem>>, %arg9: memref<32x256xf32, #tpu.memory_space<vmem>>, %arg10: memref<!tpu.dma_semaphore, #tpu.memory_space<semaphore_mem>>, %arg11: memref<!tpu.dma_semaphore, #tpu.memory_space<semaphore_mem>>) attributes {dimension_semantics = [#tpu.dimension_semantics<core_parallel>, #tpu.dimension_semantics<subcore_parallel>], iteration_bounds = array<i64: 2, 16>, scalar_prefetch = 0 : i64, scratch_operands = 6 : i64, tpu.core_type = #tpu.core_type<sc_vector_subcore>, window_params = [{transform_indices = #map}, {transform_indices = #map1}, {transform_indices = #map1}, {transform_indices = #map}]} {
    %mul3A = arith.constant 2 : i32
    %mul3A_0 = arith.muli %arg1, %mul3A : i32
    %add3A = arith.addi %mul3A_0, %arg0 : i32
    %mul3A_1 = arith.constant 32 : i32
    %mul3A_2 = arith.muli %add3A, %mul3A_1 : i32
    "tpu.region"() ({
      %run_scoped3A = tpu.sem_alloc : memref<!tpu.dma_semaphore, #tpu.memory_space<semaphore_mem>>
      %dma_start3A_19 = tpu.memref_slice %arg3[%mul3A_2] : memref<1024xi32, #tpu.memory_space<hbm>> -> memref<32xi32, #tpu.memory_space<hbm>>
      %dma_start3A_20 = tpu.memref_slice %arg3[%mul3A_2] : memref<1024xi32, #tpu.memory_space<hbm>> -> memref<32xi32, #tpu.memory_space<hbm>>
      tpu.enqueue_dma source(%dma_start3A_20 : memref<32xi32, #tpu.memory_space<hbm>>) target(%arg6 : memref<32xi32, #tpu.memory_space<vmem>>) target_semaphore(%run_scoped3A : memref<!tpu.dma_semaphore, #tpu.memory_space<semaphore_mem>>)
      %dma_wait3A_21 = tpu.memref_slice %arg3[%mul3A_2] : memref<1024xi32, #tpu.memory_space<hbm>> -> memref<32xi32, #tpu.memory_space<hbm>>
      %dma_wait3A_22 = tpu.memref_slice %arg3[%mul3A_2] : memref<1024xi32, #tpu.memory_space<hbm>> -> memref<32xi32, #tpu.memory_space<hbm>>
      tpu.wait_dma2 semaphore(%run_scoped3A : memref<!tpu.dma_semaphore, #tpu.memory_space<semaphore_mem>>) src(%dma_wait3A_22 : memref<32xi32, #tpu.memory_space<hbm>>) dst(%arg6 : memref<32xi32, #tpu.memory_space<vmem>>)
      tpu.yield
    }) : () -> ()
    "tpu.region"() ({
      %run_scoped3A = tpu.sem_alloc : memref<!tpu.dma_semaphore, #tpu.memory_space<semaphore_mem>>
      %dma_start3A_19 = tpu.memref_slice %arg4[%mul3A_2] : memref<1024xi32, #tpu.memory_space<hbm>> -> memref<32xi32, #tpu.memory_space<hbm>>
      %dma_start3A_20 = tpu.memref_slice %arg4[%mul3A_2] : memref<1024xi32, #tpu.memory_space<hbm>> -> memref<32xi32, #tpu.memory_space<hbm>>
      tpu.enqueue_dma source(%dma_start3A_20 : memref<32xi32, #tpu.memory_space<hbm>>) target(%arg7 : memref<32xi32, #tpu.memory_space<vmem>>) target_semaphore(%run_scoped3A : memref<!tpu.dma_semaphore, #tpu.memory_space<semaphore_mem>>)
      %dma_wait3A_21 = tpu.memref_slice %arg4[%mul3A_2] : memref<1024xi32, #tpu.memory_space<hbm>> -> memref<32xi32, #tpu.memory_space<hbm>>
      %dma_wait3A_22 = tpu.memref_slice %arg4[%mul3A_2] : memref<1024xi32, #tpu.memory_space<hbm>> -> memref<32xi32, #tpu.memory_space<hbm>>
      tpu.wait_dma2 semaphore(%run_scoped3A : memref<!tpu.dma_semaphore, #tpu.memory_space<semaphore_mem>>) src(%dma_wait3A_22 : memref<32xi32, #tpu.memory_space<hbm>>) dst(%arg7 : memref<32xi32, #tpu.memory_space<vmem>>)
      tpu.yield
    }) : () -> ()
    %dma_start3A = arith.constant 0 : i32
    %dma_start3A_3 = arith.constant 0 : i32
    %dma_start3A_4 = tpu.memref_slice %arg2[%dma_start3A, %dma_start3A_3] : memref<2048x256xf32, #tpu.memory_space<hbm>> -> memref<2048x256xf32, #tpu.memory_space<hbm>>
    tpu.enqueue_indirect_dma source(%dma_start3A_4 : memref<2048x256xf32, #tpu.memory_space<hbm>>) target(%arg8 : memref<32x256xf32, #tpu.memory_space<vmem>>) offsets(%arg6 : memref<32xi32, #tpu.memory_space<vmem>>) semaphore(%arg10 : memref<!tpu.dma_semaphore, #tpu.memory_space<semaphore_mem>>)
    %dma_start3A_5 = arith.constant 0 : i32
    %dma_start3A_6 = arith.constant 0 : i32
    %dma_start3A_7 = tpu.memref_slice %arg2[%dma_start3A_5, %dma_start3A_6] : memref<2048x256xf32, #tpu.memory_space<hbm>> -> memref<2048x256xf32, #tpu.memory_space<hbm>>
    tpu.enqueue_indirect_dma source(%dma_start3A_7 : memref<2048x256xf32, #tpu.memory_space<hbm>>) target(%arg9 : memref<32x256xf32, #tpu.memory_space<vmem>>) offsets(%arg7 : memref<32xi32, #tpu.memory_space<vmem>>) semaphore(%arg11 : memref<!tpu.dma_semaphore, #tpu.memory_space<semaphore_mem>>)
    %dma_wait3A = arith.constant 0 : i32
    %dma_wait3A_8 = arith.constant 0 : i32
    %dma_wait3A_9 = tpu.memref_slice %arg2[%dma_wait3A, %dma_wait3A_8] : memref<2048x256xf32, #tpu.memory_space<hbm>> -> memref<2048x256xf32, #tpu.memory_space<hbm>>
    tpu.wait_indirect_dma semaphore(%arg10 : memref<!tpu.dma_semaphore, #tpu.memory_space<semaphore_mem>>) src(%dma_wait3A_9 : memref<2048x256xf32, #tpu.memory_space<hbm>>) dst(%arg8 : memref<32x256xf32, #tpu.memory_space<vmem>>)
    %dma_wait3A_10 = arith.constant 0 : i32
    %dma_wait3A_11 = arith.constant 0 : i32
    %dma_wait3A_12 = tpu.memref_slice %arg2[%dma_wait3A_10, %dma_wait3A_11] : memref<2048x256xf32, #tpu.memory_space<hbm>> -> memref<2048x256xf32, #tpu.memory_space<hbm>>
    tpu.wait_indirect_dma semaphore(%arg11 : memref<!tpu.dma_semaphore, #tpu.memory_space<semaphore_mem>>) src(%dma_wait3A_12 : memref<2048x256xf32, #tpu.memory_space<hbm>>) dst(%arg9 : memref<32x256xf32, #tpu.memory_space<vmem>>)
    %scan3A = arith.constant 0 : i32
    %scan3A_13 = arith.constant 0 : i32
    %scan3A_14 = arith.constant 32 : i32
    %scan3A_15 = arith.addi %scan3A_13, %scan3A_14 : i32
    %scan3A_16 = arith.constant 1 : i32
    %scan3A_17 = scf.for %scan3A_19 = %scan3A_13 to %scan3A_15 step %scan3A_16 iter_args(%scan3A_20 = %scan3A) -> (i32)  : i32 {
      %scan3A_21 = arith.constant 0 : i32
      %scan3A_22 = arith.constant 0 : i32
      %scan3A_23 = arith.constant 16 : i32
      %scan3A_24 = arith.addi %scan3A_22, %scan3A_23 : i32
      %scan3A_25 = arith.constant 1 : i32
      %scan3A_26 = scf.for %scan3A_29 = %scan3A_22 to %scan3A_24 step %scan3A_25 iter_args(%scan3A_30 = %scan3A_21) -> (i32)  : i32 {
        %mul3A_31 = arith.constant 16 : i32
        %mul3A_32 = arith.muli %scan3A_29, %mul3A_31 : i32
        %get3A = arith.index_cast %scan3A_19 : i32 to index
        %get3A_33 = arith.index_cast %mul3A_32 : i32 to index
        %get3A_34 = tpu.vector_load %arg8[%get3A, %get3A_33] {strides = array<i32>} : memref<32x256xf32, #tpu.memory_space<vmem>>, vector<1x16xf32>,
        %get3A_35 = vector.shape_cast %get3A_34 : vector<1x16xf32> to vector<16xf32>
        %mul3A_36 = arith.constant 16 : i32
        %mul3A_37 = arith.muli %scan3A_29, %mul3A_36 : i32
        %get3A_38 = arith.index_cast %scan3A_19 : i32 to index
        %get3A_39 = arith.index_cast %mul3A_37 : i32 to index
        %get3A_40 = tpu.vector_load %arg9[%get3A_38, %get3A_39] {strides = array<i32>} : memref<32x256xf32, #tpu.memory_space<vmem>>, vector<1x16xf32>,
        %get3A_41 = vector.shape_cast %get3A_40 : vector<1x16xf32> to vector<16xf32>
        %add3A_42 = arith.addf %get3A_35, %get3A_41 : vector<16xf32>
        %swap3A = arith.index_cast %scan3A_19 : i32 to index
        %swap3A_43 = arith.index_cast %mul3A_32 : i32 to index
        %swap3A_44 = tpu.vector_load %arg8[%swap3A, %swap3A_43] {strides = array<i32>} : memref<32x256xf32, #tpu.memory_space<vmem>>, vector<1x16xf32>,
        %swap3A_45 = vector.shape_cast %swap3A_44 : vector<1x16xf32> to vector<16xf32>
        %swap3A_46 = vector.shape_cast %add3A_42 : vector<16xf32> to vector<1x16xf32>
        tpu.vector_store %arg8[%swap3A, %swap3A_43], %swap3A_46 {strides = array<i32>} : memref<32x256xf32, #tpu.memory_space<vmem>>, vector<1x16xf32>,
        %scan3A_47 = arith.constant 0 : i32
        scf.yield %scan3A_47 : i32
      }
      %scan3A_27 = arith.constant 16 : i32
      %scan3A_28 = arith.constant 0 : i32
      scf.yield %scan3A_28 : i32
    }
    %scan3A_18 = arith.constant 32 : i32
    "tpu.region"() ({
      %run_scoped3A = tpu.sem_alloc : memref<!tpu.dma_semaphore, #tpu.memory_space<semaphore_mem>>
      %dma_start3A_19 = arith.constant 0 : i32
      %dma_start3A_20 = tpu.memref_slice %arg5[%mul3A_2, %dma_start3A_19] : memref<1024x256xf32, #tpu.memory_space<hbm>> -> memref<32x256xf32, #tpu.memory_space<hbm>>
      %dma_start3A_21 = arith.constant 0 : i32
      %dma_start3A_22 = tpu.memref_slice %arg5[%mul3A_2, %dma_start3A_21] : memref<1024x256xf32, #tpu.memory_space<hbm>> -> memref<32x256xf32, #tpu.memory_space<hbm>>
      tpu.enqueue_dma source(%arg8 : memref<32x256xf32, #tpu.memory_space<vmem>>) target(%dma_start3A_22 : memref<32x256xf32, #tpu.memory_space<hbm>>) target_semaphore(%run_scoped3A : memref<!tpu.dma_semaphore, #tpu.memory_space<semaphore_mem>>)
      %dma_wait3A_23 = arith.constant 0 : i32
      %dma_wait3A_24 = tpu.memref_slice %arg5[%mul3A_2, %dma_wait3A_23] : memref<1024x256xf32, #tpu.memory_space<hbm>> -> memref<32x256xf32, #tpu.memory_space<hbm>>
      %dma_wait3A_25 = arith.constant 0 : i32
      %dma_wait3A_26 = tpu.memref_slice %arg5[%mul3A_2, %dma_wait3A_25] : memref<1024x256xf32, #tpu.memory_space<hbm>> -> memref<32x256xf32, #tpu.memory_space<hbm>>
      tpu.wait_dma2 semaphore(%run_scoped3A : memref<!tpu.dma_semaphore, #tpu.memory_space<semaphore_mem>>) src(%arg8 : memref<32x256xf32, #tpu.memory_space<vmem>>) dst(%dma_wait3A_26 : memref<32x256xf32, #tpu.memory_space<hbm>>)
      tpu.yield
    }) : () -> ()
    return
  }
}

module attributes {stable_mosaic.version = 14 : i64} {
  func.func @_bin_head_body(%arg0: i32, %arg1: memref<256x1024xf32, #tpu.memory_space<vmem>>, %arg2: memref<1024x2048xf32, #tpu.memory_space<vmem>>, %arg3: memref<1x2048xf32, #tpu.memory_space<vmem>>, %arg4: memref<256x2048xf32, #tpu.memory_space<vmem>>, %arg5: memref<256x2xi32, #tpu.memory_space<vmem>>) attributes {dimension_semantics = [#tpu.dimension_semantics<arbitrary>], iteration_bounds = array<i64: 4>, scalar_prefetch = 0 : i64, scratch_operands = 0 : i64, tpu.core_type = #tpu.core_type<tc>, window_params = [{transform_indices = @transform_0, window_bounds = array<i64: 256, 1024>}, {pipeline_mode = #tpu.pipeline_mode<synchronous>, transform_indices = @transform_1, window_bounds = array<i64: 1024, 2048>}, {pipeline_mode = #tpu.pipeline_mode<synchronous>, transform_indices = @transform_2, window_bounds = array<i64: 1, 2048>}, {transform_indices = @transform_3, window_bounds = array<i64: 256, 2048>}, {transform_indices = @transform_4, window_bounds = array<i64: 256, 2>}]} {
    %get3A = arith.constant 0 : index
    %get3A_0 = arith.constant 0 : index
    %get3A_1 = vector.load %arg1[%get3A, %get3A_0] : memref<256x1024xf32, #tpu.memory_space<vmem>>, vector<256x1024xf32>
    %get3A_2 = arith.constant 0 : index
    %get3A_3 = arith.constant 0 : index
    %get3A_4 = vector.load %arg2[%get3A_2, %get3A_3] : memref<1024x2048xf32, #tpu.memory_space<vmem>>, vector<1024x2048xf32>
    %dot_general3A = arith.constant dense<0.000000e+00> : vector<256x2048xf32>
    %dot_general3A_5 = tpu.matmul %get3A_1, %get3A_4, %dot_general3A {dimension_numbers = #tpu.dot_dimension_numbers<[1], [0], [0], [1], [0, 0, 1, 1], [], []>, transpose_lhs_hint = false} : vector<256x1024xf32>, vector<1024x2048xf32>, vector<256x2048xf32> -> vector<256x2048xf32>
    %get3A_6 = arith.constant 0 : index
    %get3A_7 = arith.constant 0 : index
    %get3A_8 = vector.load %arg3[%get3A_6, %get3A_7] : memref<1x2048xf32, #tpu.memory_space<vmem>>, vector<1x2048xf32>
    %add3A = vector.broadcast %get3A_8 : vector<1x2048xf32> to vector<256x2048xf32>
    %add3A_9 = arith.addf %dot_general3A_5, %add3A : vector<256x2048xf32>
    %swap3A = arith.constant 0 : index
    %swap3A_10 = arith.constant 0 : index
    %swap3A_11 = vector.load %arg4[%swap3A, %swap3A_10] : memref<256x2048xf32, #tpu.memory_space<vmem>>, vector<256x2048xf32>
    tpu.vector_store %arg4[%swap3A, %swap3A_10], %add3A_9 {strides = array<i32>} : memref<256x2048xf32, #tpu.memory_space<vmem>>, vector<256x2048xf32>,
    %iota3A = tpu.iota {dimensions = array<i32: 1>} : vector<256x1024xi32>
    %slice3A = vector.extract_strided_slice %add3A_9 {offsets = [0, 0], sizes = [256, 1024], strides = [1, 1]} : vector<256x2048xf32> to vector<256x1024xf32>
    %reduce_max3A = arith.constant dense<0xFF800000> : vector<256xf32>
    %reduce_max3A_12 = vector.multi_reduction <maximumf>, %slice3A, %reduce_max3A [1] : vector<256x1024xf32> to vector<256xf32>
    %broadcast_in_dim3A = vector.shape_cast %reduce_max3A_12 : vector<256xf32> to vector<256x1xf32>
    %ge3A = vector.broadcast %broadcast_in_dim3A : vector<256x1xf32> to vector<256x1024xf32>
    %ge3A_13 = arith.cmpf oge, %slice3A, %ge3A : vector<256x1024xf32>
    %jit3A = arith.constant 1073741824 : i32
    %broadcast_in_dim3A_14 = vector.broadcast %jit3A : i32 to vector<256x1024xi32>
    %select_n3A = arith.select %ge3A_13, %iota3A, %broadcast_in_dim3A_14 : vector<256x1024xi1>, vector<256x1024xi32>
    %reduce_min3A = arith.constant dense<2147483647> : vector<256xi32>
    %reduce_min3A_15 = vector.multi_reduction <minsi>, %select_n3A, %reduce_min3A [1] : vector<256x1024xi32> to vector<256xi32>
    %swap3A_16 = arith.constant 0 : index
    %swap3A_17 = arith.constant 0 : index
    %swap3A_18 = vector.load %arg5[%swap3A_16, %swap3A_17] : memref<256x2xi32, #tpu.memory_space<vmem>>, vector<256x1xi32>
    %swap3A_19 = vector.shape_cast %swap3A_18 : vector<256x1xi32> to vector<256xi32>
    %swap3A_20 = vector.shape_cast %reduce_min3A_15 : vector<256xi32> to vector<256x1xi32>
    tpu.vector_store %arg5[%swap3A_16, %swap3A_17], %swap3A_20 {strides = array<i32>} : memref<256x2xi32, #tpu.memory_space<vmem>>, vector<256x1xi32>,
    %slice3A_21 = vector.extract_strided_slice %add3A_9 {offsets = [0, 1024], sizes = [256, 1024], strides = [1, 1]} : vector<256x2048xf32> to vector<256x1024xf32>
    %reduce_max3A_22 = arith.constant dense<0xFF800000> : vector<256xf32>
    %reduce_max3A_23 = vector.multi_reduction <maximumf>, %slice3A_21, %reduce_max3A_22 [1] : vector<256x1024xf32> to vector<256xf32>
    %broadcast_in_dim3A_24 = vector.shape_cast %reduce_max3A_23 : vector<256xf32> to vector<256x1xf32>
    %ge3A_25 = vector.broadcast %broadcast_in_dim3A_24 : vector<256x1xf32> to vector<256x1024xf32>
    %ge3A_26 = arith.cmpf oge, %slice3A_21, %ge3A_25 : vector<256x1024xf32>
    %jit3A_27 = arith.constant 1073741824 : i32
    %broadcast_in_dim3A_28 = vector.broadcast %jit3A_27 : i32 to vector<256x1024xi32>
    %select_n3A_29 = arith.select %ge3A_26, %iota3A, %broadcast_in_dim3A_28 : vector<256x1024xi1>, vector<256x1024xi32>
    %reduce_min3A_30 = arith.constant dense<2147483647> : vector<256xi32>
    %reduce_min3A_31 = vector.multi_reduction <minsi>, %select_n3A_29, %reduce_min3A_30 [1] : vector<256x1024xi32> to vector<256xi32>
    %swap3A_32 = arith.constant 0 : index
    %swap3A_33 = arith.constant 1 : index
    %swap3A_34 = vector.load %arg5[%swap3A_32, %swap3A_33] : memref<256x2xi32, #tpu.memory_space<vmem>>, vector<256x1xi32>
    %swap3A_35 = vector.shape_cast %swap3A_34 : vector<256x1xi32> to vector<256xi32>
    %swap3A_36 = vector.shape_cast %reduce_min3A_31 : vector<256xi32> to vector<256x1xi32>
    tpu.vector_store %arg5[%swap3A_32, %swap3A_33], %swap3A_36 {strides = array<i32>} : memref<256x2xi32, #tpu.memory_space<vmem>>, vector<256x1xi32>,
    return
  }
  func.func @transform_0(%arg0: i32) -> (i32, i32) {
    %c0_i32 = arith.constant 0 : i32
    %c0_i32_0 = arith.constant 0 : i32
    return %arg0, %c0_i32 : i32, i32
  }
  func.func @transform_1(%arg0: i32) -> (i32, i32) {
    %c0_i32 = arith.constant 0 : i32
    %c0_i32_0 = arith.constant 0 : i32
    %c0_i32_1 = arith.constant 0 : i32
    return %c0_i32, %c0_i32_0 : i32, i32
  }
  func.func @transform_2(%arg0: i32) -> (i32, i32) {
    %c0_i32 = arith.constant 0 : i32
    %c0_i32_0 = arith.constant 0 : i32
    %c0_i32_1 = arith.constant 0 : i32
    return %c0_i32, %c0_i32_0 : i32, i32
  }
  func.func @transform_3(%arg0: i32) -> (i32, i32) {
    %c0_i32 = arith.constant 0 : i32
    %c0_i32_0 = arith.constant 0 : i32
    return %arg0, %c0_i32 : i32, i32
  }
  func.func @transform_4(%arg0: i32) -> (i32, i32) {
    %c0_i32 = arith.constant 0 : i32
    %c0_i32_0 = arith.constant 0 : i32
    return %arg0, %c0_i32 : i32, i32
  }
}

module attributes {stable_mosaic.version = 14 : i64} {
  func.func @_sweep_body(%arg0: i32, %arg1: memref<1024x1024xbf16, #tpu.memory_space<vmem>>, %arg2: memref<1024x1280xf32, #tpu.memory_space<vmem>>, %arg3: memref<1x1280xi32, #tpu.memory_space<vmem>>, %arg4: memref<1024x2xi32, #tpu.memory_space<vmem>>, %arg5: memref<1024x35xf32, #tpu.memory_space<vmem>>) attributes {dimension_semantics = [#tpu.dimension_semantics<arbitrary>], iteration_bounds = array<i64: 56>, scalar_prefetch = 0 : i64, scratch_operands = 0 : i64, tpu.core_type = #tpu.core_type<tc>, window_params = [{pipeline_mode = #tpu.pipeline_mode<synchronous>, transform_indices = @transform_0, window_bounds = array<i64: 1024, 1024>}, {transform_indices = @transform_1, window_bounds = array<i64: 1024, 1280>}, {transform_indices = @transform_2, window_bounds = array<i64: 1, 1280>}, {pipeline_mode = #tpu.pipeline_mode<synchronous>, transform_indices = @transform_3, window_bounds = array<i64: 1024, 2>}, {pipeline_mode = #tpu.pipeline_mode<synchronous>, transform_indices = @transform_4, window_bounds = array<i64: 1024, 35>}]} {
    %get3A = arith.constant 0 : index
    %get3A_0 = arith.constant 0 : index
    %get3A_1 = vector.load %arg2[%get3A, %get3A_0] : memref<1024x1280xf32, #tpu.memory_space<vmem>>, vector<1024x1280xf32>
    %convert_element_type3A = arith.truncf %get3A_1 : vector<1024x1280xf32> to vector<1024x1280xbf16>
    %get3A_2 = arith.constant 0 : index
    %get3A_3 = arith.constant 0 : index
    %get3A_4 = vector.load %arg1[%get3A_2, %get3A_3] : memref<1024x1024xbf16, #tpu.memory_space<vmem>>, vector<1024x1024xbf16>
    %dot_general3A = arith.constant dense<0.000000e+00> : vector<1024x1280xf32>
    %dot_general3A_5 = tpu.matmul %get3A_4, %convert_element_type3A, %dot_general3A {dimension_numbers = #tpu.dot_dimension_numbers<[1], [0], [0], [1], [0, 0, 1, 1], [], []>, transpose_lhs_hint = false} : vector<1024x1024xbf16>, vector<1024x1280xbf16>, vector<1024x1280xf32> -> vector<1024x1280xf32>
    %get3A_6 = arith.constant 0 : index
    %get3A_7 = arith.constant 0 : index
    %get3A_8 = vector.load %arg3[%get3A_6, %get3A_7] : memref<1x1280xi32, #tpu.memory_space<vmem>>, vector<1x1280xi32>
    %get3A_9 = arith.constant 0 : index
    %get3A_10 = arith.constant 0 : index
    %get3A_11 = vector.load %arg4[%get3A_9, %get3A_10] : memref<1024x2xi32, #tpu.memory_space<vmem>>, vector<1024x1xi32>
    %get3A_12 = arith.constant 0 : index
    %get3A_13 = arith.constant 1 : index
    %get3A_14 = vector.load %arg4[%get3A_12, %get3A_13] : memref<1024x2xi32, #tpu.memory_space<vmem>>, vector<1024x1xi32>
    %add3A = arith.constant 1024 : i32
    %add3A_15 = vector.broadcast %add3A : i32 to vector<1024x1xi32>
    %add3A_16 = arith.addi %get3A_14, %add3A_15 : vector<1024x1xi32>
    %eq3A = vector.broadcast %get3A_8 : vector<1x1280xi32> to vector<1024x1280xi32>
    %eq3A_17 = vector.broadcast %get3A_11 : vector<1024x1xi32> to vector<1024x1280xi32>
    %eq3A_18 = arith.cmpi eq, %eq3A, %eq3A_17 : vector<1024x1280xi32>
    %eq3A_19 = vector.broadcast %get3A_8 : vector<1x1280xi32> to vector<1024x1280xi32>
    %eq3A_20 = vector.broadcast %add3A_16 : vector<1024x1xi32> to vector<1024x1280xi32>
    %eq3A_21 = arith.cmpi eq, %eq3A_19, %eq3A_20 : vector<1024x1280xi32>
    %or3A = arith.ori %eq3A_18, %eq3A_21 : vector<1024x1280xi1>
    %convert_element_type3A_22 = arith.extui %or3A : vector<1024x1280xi1> to vector<1024x1280xi32>
    %convert_element_type3A_23 = arith.sitofp %convert_element_type3A_22 : vector<1024x1280xi32> to vector<1024x1280xf32>
    %iota3A = tpu.iota {dimensions = array<i32: 0>} : vector<1280x35xi32>
    %convert_element_type3A_24 = arith.sitofp %iota3A : vector<1280x35xi32> to vector<1280x35xf32>
    %mul3A = arith.constant 1280 : i32
    %mul3A_25 = arith.muli %arg0, %mul3A : i32
    %convert_element_type3A_26 = arith.sitofp %mul3A_25 : i32 to f32
    %add3A_27 = vector.broadcast %convert_element_type3A_26 : f32 to vector<1280x35xf32>
    %add3A_28 = arith.addf %convert_element_type3A_24, %add3A_27 : vector<1280x35xf32>
    %mul3A_29 = arith.constant 0.0285714287 : f32
    %mul3A_30 = vector.broadcast %mul3A_29 : f32 to vector<1280x35xf32>
    %mul3A_31 = arith.mulf %add3A_28, %mul3A_30 : vector<1280x35xf32>
    %add3A_32 = arith.constant 0.0142857144 : f32
    %add3A_33 = vector.broadcast %add3A_32 : f32 to vector<1280x35xf32>
    %add3A_34 = arith.addf %mul3A_31, %add3A_33 : vector<1280x35xf32>
    %floor3A = math.floor %add3A_34 : vector<1280x35xf32>
    %mul3A_35 = arith.constant 3.500000e+01 : f32
    %mul3A_36 = vector.broadcast %mul3A_35 : f32 to vector<1280x35xf32>
    %mul3A_37 = arith.mulf %floor3A, %mul3A_36 : vector<1280x35xf32>
    %sub3A = arith.subf %add3A_28, %mul3A_37 : vector<1280x35xf32>
    %iota3A_38 = tpu.iota {dimensions = array<i32: 1>} : vector<1280x35xi32>
    %convert_element_type3A_39 = arith.sitofp %iota3A_38 : vector<1280x35xi32> to vector<1280x35xf32>
    %eq3A_40 = arith.cmpf oeq, %sub3A, %convert_element_type3A_39 : vector<1280x35xf32>
    %convert_element_type3A_41 = arith.extui %eq3A_40 : vector<1280x35xi1> to vector<1280x35xi32>
    %convert_element_type3A_42 = arith.sitofp %convert_element_type3A_41 : vector<1280x35xi32> to vector<1280x35xf32>
    %mul3A_43 = arith.mulf %dot_general3A_5, %convert_element_type3A_23 : vector<1024x1280xf32>
    %dot_general3A_44 = arith.constant dense<0.000000e+00> : vector<1024x35xf32>
    %dot_general3A_45 = tpu.matmul %mul3A_43, %convert_element_type3A_42, %dot_general3A_44 {dimension_numbers = #tpu.dot_dimension_numbers<[1], [0], [0], [1], [0, 0, 1, 1], [], []>, transpose_lhs_hint = false} : vector<1024x1280xf32>, vector<1280x35xf32>, vector<1024x35xf32> -> vector<1024x35xf32>
    %eq3A_46 = arith.constant 0 : i32
    %eq3A_47 = arith.cmpi eq, %arg0, %eq3A_46 : i32
    %convert_element_type3A_48 = arith.extui %eq3A_47 : i1 to i32
    %cond3A = arith.constant 0 : i32
    %cond3A_49 = arith.cmpi ne, %convert_element_type3A_48, %cond3A : i32
    scf.if %cond3A_49 {
      %broadcast_in_dim3A = arith.constant 0.000000e+00 : f32
      %broadcast_in_dim3A_56 = vector.broadcast %broadcast_in_dim3A : f32 to vector<1024x35xf32>
      %swap3A_57 = arith.constant 0 : index
      %swap3A_58 = arith.constant 0 : index
      %swap3A_59 = vector.load %arg5[%swap3A_57, %swap3A_58] : memref<1024x35xf32, #tpu.memory_space<vmem>>, vector<1024x35xf32>
      tpu.vector_store %arg5[%swap3A_57, %swap3A_58], %broadcast_in_dim3A_56 {strides = array<i32>} : memref<1024x35xf32, #tpu.memory_space<vmem>>, vector<1024x35xf32>,
    } else {
    }
    %get3A_50 = arith.constant 0 : index
    %get3A_51 = arith.constant 0 : index
    %get3A_52 = vector.load %arg5[%get3A_50, %get3A_51] : memref<1024x35xf32, #tpu.memory_space<vmem>>, vector<1024x35xf32>
    %add3A_53 = arith.addf %get3A_52, %dot_general3A_45 : vector<1024x35xf32>
    %swap3A = arith.constant 0 : index
    %swap3A_54 = arith.constant 0 : index
    %swap3A_55 = vector.load %arg5[%swap3A, %swap3A_54] : memref<1024x35xf32, #tpu.memory_space<vmem>>, vector<1024x35xf32>
    tpu.vector_store %arg5[%swap3A, %swap3A_54], %add3A_53 {strides = array<i32>} : memref<1024x35xf32, #tpu.memory_space<vmem>>, vector<1024x35xf32>,
    return
  }
  func.func @transform_0(%arg0: i32) -> (i32, i32) {
    %c0_i32 = arith.constant 0 : i32
    %c0_i32_0 = arith.constant 0 : i32
    %c0_i32_1 = arith.constant 0 : i32
    return %c0_i32, %c0_i32_0 : i32, i32
  }
  func.func @transform_1(%arg0: i32) -> (i32, i32) {
    %c0_i32 = arith.constant 0 : i32
    %c0_i32_0 = arith.constant 0 : i32
    return %c0_i32, %arg0 : i32, i32
  }
  func.func @transform_2(%arg0: i32) -> (i32, i32) {
    %c0_i32 = arith.constant 0 : i32
    %c0_i32_0 = arith.constant 0 : i32
    return %c0_i32, %arg0 : i32, i32
  }
  func.func @transform_3(%arg0: i32) -> (i32, i32) {
    %c0_i32 = arith.constant 0 : i32
    %c0_i32_0 = arith.constant 0 : i32
    %c0_i32_1 = arith.constant 0 : i32
    return %c0_i32, %c0_i32_0 : i32, i32
  }
  func.func @transform_4(%arg0: i32) -> (i32, i32) {
    %c0_i32 = arith.constant 0 : i32
    %c0_i32_0 = arith.constant 0 : i32
    %c0_i32_1 = arith.constant 0 : i32
    return %c0_i32, %c0_i32_0 : i32, i32
  }
}

module attributes {stable_mosaic.version = 14 : i64} {
  func.func @_decode_body(%arg0: memref<1024x2xi32, #tpu.memory_space<vmem>>, %arg1: memref<1024x256xf32, #tpu.memory_space<vmem>>, %arg2: memref<2048x35xf32, #tpu.memory_space<vmem>>, %arg3: memref<256x512xf32, #tpu.memory_space<vmem>>, %arg4: memref<1x512xf32, #tpu.memory_space<vmem>>, %arg5: memref<512x512xf32, #tpu.memory_space<vmem>>, %arg6: memref<1x512xf32, #tpu.memory_space<vmem>>, %arg7: memref<512x35xf32, #tpu.memory_space<vmem>>, %arg8: memref<1x35xf32, #tpu.memory_space<vmem>>, %arg9: memref<1024x35xf32, #tpu.memory_space<vmem>>, %arg10: memref<1024x35xf32, #tpu.memory_space<vmem>>, %arg11: memref<1024x35xf32, #tpu.memory_space<vmem>>) attributes {dimension_semantics = [], scalar_prefetch = 0 : i64, scratch_operands = 0 : i64, tpu.core_type = #tpu.core_type<tc>} {
    %get3A = arith.constant 0 : index
    %get3A_0 = arith.constant 0 : index
    %get3A_1 = vector.load %arg0[%get3A, %get3A_0] : memref<1024x2xi32, #tpu.memory_space<vmem>>, vector<1024x2xi32>
    %iota3A = tpu.iota {dimensions = array<i32: 1>} : vector<1024x2048xi32>
    %slice3A = vector.extract_strided_slice %get3A_1 {offsets = [0, 0], sizes = [1024, 1], strides = [1, 1]} : vector<1024x2xi32> to vector<1024x1xi32>
    %slice3A_2 = vector.extract_strided_slice %get3A_1 {offsets = [0, 1], sizes = [1024, 1], strides = [1, 1]} : vector<1024x2xi32> to vector<1024x1xi32>
    %add3A = arith.constant 1024 : i32
    %add3A_3 = vector.broadcast %add3A : i32 to vector<1024x1xi32>
    %add3A_4 = arith.addi %slice3A_2, %add3A_3 : vector<1024x1xi32>
    %eq3A = vector.broadcast %slice3A : vector<1024x1xi32> to vector<1024x2048xi32>
    %eq3A_5 = arith.cmpi eq, %iota3A, %eq3A : vector<1024x2048xi32>
    %eq3A_6 = vector.broadcast %add3A_4 : vector<1024x1xi32> to vector<1024x2048xi32>
    %eq3A_7 = arith.cmpi eq, %iota3A, %eq3A_6 : vector<1024x2048xi32>
    %or3A = arith.ori %eq3A_5, %eq3A_7 : vector<1024x2048xi1>
    %convert_element_type3A = arith.extui %or3A : vector<1024x2048xi1> to vector<1024x2048xi32>
    %convert_element_type3A_8 = arith.sitofp %convert_element_type3A : vector<1024x2048xi32> to vector<1024x2048xf32>
    %get3A_9 = arith.constant 0 : index
    %get3A_10 = arith.constant 0 : index
    %get3A_11 = vector.load %arg1[%get3A_9, %get3A_10] : memref<1024x256xf32, #tpu.memory_space<vmem>>, vector<1024x256xf32>
    %get3A_12 = arith.constant 0 : index
    %get3A_13 = arith.constant 0 : index
    %get3A_14 = vector.load %arg3[%get3A_12, %get3A_13] : memref<256x512xf32, #tpu.memory_space<vmem>>, vector<256x512xf32>
    %dot_general3A = arith.constant dense<0.000000e+00> : vector<1024x512xf32>
    %dot_general3A_15 = tpu.matmul %get3A_11, %get3A_14, %dot_general3A {dimension_numbers = #tpu.dot_dimension_numbers<[1], [0], [0], [1], [0, 0, 1, 1], [], []>, transpose_lhs_hint = false} : vector<1024x256xf32>, vector<256x512xf32>, vector<1024x512xf32> -> vector<1024x512xf32>
    %get3A_16 = arith.constant 0 : index
    %get3A_17 = arith.constant 0 : index
    %get3A_18 = vector.load %arg4[%get3A_16, %get3A_17] : memref<1x512xf32, #tpu.memory_space<vmem>>, vector<1x512xf32>
    %add3A_19 = vector.broadcast %get3A_18 : vector<1x512xf32> to vector<1024x512xf32>
    %add3A_20 = arith.addf %dot_general3A_15, %add3A_19 : vector<1024x512xf32>
    %max3A = arith.constant 0.000000e+00 : f32
    %max3A_21 = vector.broadcast %max3A : f32 to vector<1024x512xf32>
    %max3A_22 = arith.maximumf %add3A_20, %max3A_21 : vector<1024x512xf32>
    %get3A_23 = arith.constant 0 : index
    %get3A_24 = arith.constant 0 : index
    %get3A_25 = vector.load %arg5[%get3A_23, %get3A_24] : memref<512x512xf32, #tpu.memory_space<vmem>>, vector<512x512xf32>
    %dot_general3A_26 = arith.constant dense<0.000000e+00> : vector<1024x512xf32>
    %dot_general3A_27 = tpu.matmul %max3A_22, %get3A_25, %dot_general3A_26 {dimension_numbers = #tpu.dot_dimension_numbers<[1], [0], [0], [1], [0, 0, 1, 1], [], []>, transpose_lhs_hint = false} : vector<1024x512xf32>, vector<512x512xf32>, vector<1024x512xf32> -> vector<1024x512xf32>
    %get3A_28 = arith.constant 0 : index
    %get3A_29 = arith.constant 0 : index
    %get3A_30 = vector.load %arg6[%get3A_28, %get3A_29] : memref<1x512xf32, #tpu.memory_space<vmem>>, vector<1x512xf32>
    %add3A_31 = vector.broadcast %get3A_30 : vector<1x512xf32> to vector<1024x512xf32>
    %add3A_32 = arith.addf %dot_general3A_27, %add3A_31 : vector<1024x512xf32>
    %max3A_33 = arith.constant 0.000000e+00 : f32
    %max3A_34 = vector.broadcast %max3A_33 : f32 to vector<1024x512xf32>
    %max3A_35 = arith.maximumf %add3A_32, %max3A_34 : vector<1024x512xf32>
    %get3A_36 = arith.constant 0 : index
    %get3A_37 = arith.constant 0 : index
    %get3A_38 = vector.load %arg7[%get3A_36, %get3A_37] : memref<512x35xf32, #tpu.memory_space<vmem>>, vector<512x35xf32>
    %dot_general3A_39 = arith.constant dense<0.000000e+00> : vector<1024x35xf32>
    %dot_general3A_40 = tpu.matmul %max3A_35, %get3A_38, %dot_general3A_39 {dimension_numbers = #tpu.dot_dimension_numbers<[1], [0], [0], [1], [0, 0, 1, 1], [], []>, transpose_lhs_hint = false} : vector<1024x512xf32>, vector<512x35xf32>, vector<1024x35xf32> -> vector<1024x35xf32>
    %get3A_41 = arith.constant 0 : index
    %get3A_42 = arith.constant 0 : index
    %get3A_43 = vector.load %arg8[%get3A_41, %get3A_42] : memref<1x35xf32, #tpu.memory_space<vmem>>, vector<1x35xf32>
    %add3A_44 = vector.broadcast %get3A_43 : vector<1x35xf32> to vector<1024x35xf32>
    %add3A_45 = arith.addf %dot_general3A_40, %add3A_44 : vector<1024x35xf32>
    %get3A_46 = arith.constant 0 : index
    %get3A_47 = arith.constant 0 : index
    %get3A_48 = vector.load %arg2[%get3A_46, %get3A_47] : memref<2048x35xf32, #tpu.memory_space<vmem>>, vector<2048x35xf32>
    %dot_general3A_49 = arith.constant dense<0.000000e+00> : vector<1024x35xf32>
    %dot_general3A_50 = tpu.matmul %convert_element_type3A_8, %get3A_48, %dot_general3A_49 {dimension_numbers = #tpu.dot_dimension_numbers<[1], [0], [0], [1], [0, 0, 1, 1], [], []>, transpose_lhs_hint = false} : vector<1024x2048xf32>, vector<2048x35xf32>, vector<1024x35xf32> -> vector<1024x35xf32>
    %swap3A = arith.constant 0 : index
    %swap3A_51 = arith.constant 0 : index
    %swap3A_52 = vector.load %arg10[%swap3A, %swap3A_51] : memref<1024x35xf32, #tpu.memory_space<vmem>>, vector<1024x35xf32>
    tpu.vector_store %arg10[%swap3A, %swap3A_51], %add3A_45 {strides = array<i32>} : memref<1024x35xf32, #tpu.memory_space<vmem>>, vector<1024x35xf32>,
    %get3A_53 = arith.constant 0 : index
    %get3A_54 = arith.constant 0 : index
    %get3A_55 = vector.load %arg9[%get3A_53, %get3A_54] : memref<1024x35xf32, #tpu.memory_space<vmem>>, vector<1024x35xf32>
    %add3A_56 = arith.addf %add3A_45, %get3A_55 : vector<1024x35xf32>
    %add3A_57 = arith.addf %add3A_56, %dot_general3A_50 : vector<1024x35xf32>
    %swap3A_58 = arith.constant 0 : index
    %swap3A_59 = arith.constant 0 : index
    %swap3A_60 = vector.load %arg11[%swap3A_58, %swap3A_59] : memref<1024x35xf32, #tpu.memory_space<vmem>>, vector<1024x35xf32>
    tpu.vector_store %arg11[%swap3A_58, %swap3A_59], %add3A_57 {strides = array<i32>} : memref<1024x35xf32, #tpu.memory_space<vmem>>, vector<1024x35xf32>,
    return
  }
}

</mosaic_0001>

<sc_bundles>
// kernel: kernel.6.cloned.1.call-start
scs
__scs_entry_jumppad:
0x0: {  	(pc) =	sbr.rel $0x88, $3  }
0x1: {  	(tag) =	ssettag $0x0;
	lr =	simm.s32 $0x1  }
0x2: {  	[smem:$0x3F95] =	sst lr;
	_ =	strace $0xD0000000  }
0x3: {  	_ = 	snop  }
0x4: {  	_ = 	snop  }
0x5: {  	_ = 	snop  }
0x6: {  	_ = 	snop  }
0x7: {  	_ = 	snop  }
__scs_overlays_trampoline_lowered:
0x8: {  	[smem:$0x3FA4] =	sst s0  }
0x9: {  	[smem:$0x3FA5] =	sst s1  }
0xa: {  	[smem:$0x3FA6] =	sst s2  }
0xb: {  	[smem:$0x3FA7] =	sst s3  }
0xc: {  	[smem:$0x3FA8] =	sst s4  }
0xd: {  	[smem:$0x3FA9] =	sst s5  }
0xe: {  	[smem:$0x3FAA] =	sst s6  }
0xf: {  	[smem:$0x3FAB] =	sst s7  }
0x10: {  	[smem:$0x3FAC] =	sst s8  }
0x11: {  	[smem:$0x3FAD] =	sst s9;
	s0 =	simm.s32 @!p0 $0x0  }
0x12: {  	s1 =	sld [smem:$0x3F93];
	s0 =	simm.s32 @p0 $0x1  }
0x13: {  	[smem:$0x3FAE] =	sst s0;
	s0 =	simm.s32 @!p1 $0x0  }
0x14: {  	s2 =	sld [smem:$0x3F92];
	s0 =	simm.s32 @p1 $0x1  }
0x15: {  	[smem:$0x3FAF] =	sst s0;
	s0 =	simm.s32 @!p2 $0x0  }
0x16: {  	s3 =	sld [smem:$0x3FDB];
	s0 =	simm.s32 @p2 $0x1  }
0x17: {  	s4 =	simm.s32 $0x1BF5;
	[smem:$0x3FB1] =	sst s0  }
0x18: {  	s0 =	sld [smem:$0x3F94];
	_ =	swait.ge [sflag:s4], $0x0  }
0x19: {  	s7 =	sld [smem:$0x3F95]  }
0x1a: {  	s8 =	sadd.s32 $0xFFFFE003, lr  }
0x1b: {  	s9 =	sadd.s32 $0xFFFFFEF7, lr;
	s5 =	simm.s32 $0xFFFFFFFF;
	p2 =	slt.u32 s8, $0xFFFFF086  }
0x1c: {  	p1 =	slt.u32 s9, $0xF7A;
	s5 =	simm.s32 @!p2 $0x0  }
0x1d: {  	s5 =	simm.s32 @p1 $0x1;
	p0 =	seq.s32 s7, s2  }
0x1e: {  	s7 =	smul.u32 @!p0 $0xF7A, s2;
	p2 =	seq.s32 @!p0 s5, $0x0  }
0x1f: {  	s9 =	smul.u32 $0xF7A, s1;
	s8 =	simm.s32 @!p0 $0x1BF5;
	p2 =	por !p2, p0  }
0x20: {  	[sflag:s8] =	ssyncset.s32 @!p0 $0xFFFFF086;
	s6 =	sadd.s32 @!p0 s3, s7;
	s7 =	simm.s32 @!p0 $0x108  }
0x21: {  	s3 =	sadd.s32 s3, s9;
	s6 =	sadd.s32 @!p0 $0x88, s6;
	s7 =	simm.s32 @p2 $0x1082  }
0x22: {  	[simem:s7], [sflag:s8] =	dma.local @!p0 [hbm:s6], $0xF7A  }
0x23: {  	s9 =	sor.u32 $0xD0000000, s2;
	s6 =	simm.s32 $0x108;
	_ =	swait.ge @!p0 [sflag:s8], $0x0  }
0x24: {  	s3 =	sadd.s32 $0x88, s3;
	s6 =	simm.s32 @!p1 $0x1082;
	[sflag:s4] =	ssyncset.s32 $0xFFFFF086  }
0x25: {  	[simem:s6], [sflag:s4] =	dma.local [hbm:s3], $0xF7A  }
0x26: {  	[smem:$0x3F95] =	sst s1;
	(tag) =	ssettag s2;
	_ =	strace s9  }
0x27: {  	s1 =	sld [smem:$0x3FA5]  }
0x28: {  	s2 =	sld [smem:$0x3FA6]  }
0x29: {  	s4 =	sld [smem:$0x3FA8]  }
0x2a: {  	p0 =	seq.s32 s5, $0x0;
	s5 =	sld [smem:$0x3FA9]  }
0x2b: {  	s6 =	sld [smem:$0x3FAA]  }
0x2c: {  	s7 =	sld [smem:$0x3FAB]  }
0x2d: {  	s3 =	simm.s32 $0x108;
	s8 =	sld [smem:$0x3FAC]  }
0x2e: {  	s3 =	simm.s32 @!p0 $0x1082;
	s9 =	sld [smem:$0x3FAD]  }
0x2f: {  	lr =	sadd.s32 s0, s3;
	s0 =	sld [smem:$0x3FA4]  }
0x30: {  	s3 =	sld [smem:$0x3FA7]  }
0x31: {  	[smem:$0x3FB0] =	sst s10  }
0x32: {  	s10 =	sld [smem:$0x3FAE];
	_ =	sdelay $0x3  }
0x33: {  	p0 =	seq.s32 s10, $0x1;
	s10 =	sld [smem:$0x3FB0];
	_ =	sdelay $0x3  }
0x34: {  	[smem:$0x3FB0] =	sst s10  }
0x35: {  	s10 =	sld [smem:$0x3FAF];
	_ =	sdelay $0x3  }
0x36: {  	p1 =	seq.s32 s10, $0x1;
	s10 =	sld [smem:$0x3FB0];
	_ =	sdelay $0x3  }
0x37: {  	[smem:$0x3FB0] =	sst s10  }
0x38: {  	s10 =	sld [smem:$0x3FB1]  }
0x39: {  	_ = 	snop;
	(pc) =	sbr.ind lr, $3  }
0x3a: {  	_ = 	snop  }
0x3b: {  	_ = 	snop  }
0x3c: {  	p2 =	seq.s32 s10, $0x1;
	s10 =	sld [smem:$0x3FB0]  }
0x3d: {  	_ =	shalt  }
0x3e: {  	_ =	shalt  }
0x3f: {  	_ =	shalt  }
0x40: {  	_ =	shalt  }
0x41: {  	_ =	shalt  }
0x42: {  	_ =	shalt  }
0x43: {  	_ =	shalt  }
0x44: {  	_ =	shalt  }
0x45: {  	_ =	shalt  }
0x46: {  	_ =	shalt  }
0x47: {  	_ =	shalt  }
0x48: {  	_ =	shalt  }
0x49: {  	_ =	shalt  }
0x4a: {  	_ =	shalt  }
0x4b: {  	_ =	shalt  }
0x4c: {  	_ =	shalt  }
0x4d: {  	_ =	shalt  }
0x4e: {  	_ =	shalt  }
0x4f: {  	_ =	shalt  }
0x50: {  	_ =	shalt  }
0x51: {  	_ =	shalt  }
0x52: {  	_ =	shalt  }
0x53: {  	_ =	shalt  }
0x54: {  	_ =	shalt  }
0x55: {  	_ =	shalt  }
0x56: {  	_ =	shalt  }
0x57: {  	_ =	shalt  }
0x58: {  	_ =	shalt  }
0x59: {  	_ =	shalt  }
0x5a: {  	_ =	shalt  }
0x5b: {  	_ =	shalt  }
0x5c: {  	_ =	shalt  }
0x5d: {  	_ =	shalt  }
0x5e: {  	_ =	shalt  }
0x5f: {  	_ =	shalt  }
0x60: {  	_ =	shalt  }
0x61: {  	_ =	shalt  }
0x62: {  	_ =	shalt  }
0x63: {  	_ =	shalt  }
0x64: {  	_ =	shalt  }
0x65: {  	_ =	shalt  }
0x66: {  	_ =	shalt  }
0x67: {  	_ =	shalt  }
0x68: {  	_ =	shalt  }
0x69: {  	_ =	shalt  }
0x6a: {  	_ =	shalt  }
0x6b: {  	_ =	shalt  }
0x6c: {  	_ =	shalt  }
0x6d: {  	_ =	shalt  }
0x6e: {  	_ =	shalt  }
0x6f: {  	_ =	shalt  }
0x70: {  	_ =	shalt  }
0x71: {  	_ =	shalt  }
0x72: {  	_ =	shalt  }
0x73: {  	_ =	shalt  }
0x74: {  	_ =	shalt  }
0x75: {  	_ =	shalt  }
0x76: {  	_ =	shalt  }
0x77: {  	_ =	shalt  }
0x78: {  	_ =	shalt  }
0x79: {  	_ =	shalt  }
0x7a: {  	_ =	shalt  }
0x7b: {  	_ =	shalt  }
0x7c: {  	_ =	shalt  }
0x7d: {  	_ =	shalt  }
0x7e: {  	_ =	shalt  }
0x7f: {  	_ =	shalt  }
0x80: {  	_ =	shalt  }
0x81: {  	_ =	shalt  }
0x82: {  	_ =	shalt  }
0x83: {  	_ =	shalt  }
0x84: {  	_ =	shalt  }
0x85: {  	_ =	shalt  }
0x86: {  	_ =	shalt  }
0x87: {  	_ =	shalt  }
.Lfunc_end0:
.L_simem_size_0:
called_computation_lowered:
.L_overlay_start_0:
0x88: {  	s2 =	sld [smem:$0x3FD9]  }
0x89: {  	s3 =	sld [smem:$0x3FFE];
	_ =	sdelay $0x1  }
0x8a: {  	s1 =	srdreg.scid  }
0x8b: {  	s0 =	sand.u32 $0x1, s1  }
0x8c: {  	s14 =	sshll.u32 s0, $0xA;
	s2 =	sadd.s32 s3, s2  }
0x8d: {  	s2 =	sadd.s32 s2, s14  }
0x8e: {  	[smem:$0x3FBC] =	sst s2  }
0x8f: {  	_ = 	snop  }
0x90: {  	s2 =	sld [smem:$0x3FD0];
	_ =	sdelay $0x2  }
0x91: {  	s15 =	simm.s32 $0xA;
	s4 =	simm.s32 $0x10  }
0x92: {  	[smem:s4], [sflag:s15] =	dma.local [hbm:s2], $0x1  }
0x93: {  	_ =	swait.eq [sflag:s15], $0x1  }
0x94: {  	[sflag:s15] =	ssyncset.done $0x0  }
0x95: {  	s16 =	sld [smem:$0x11];
	[sflag:s15] =	ssyncadd.s32 $0xFFFFFFFF  }
0x96: {  	s17 =	sld [smem:$0x13];
	(tm) =	ssettm $0x1  }
0x97: {  	s18 =	sld [smem:$0x3FFB];
	_ =	sdelay $0x3  }
0x98: {  	_ =	strace s18  }
0x99: {  	s4 =	sld [smem:$0x3FFC];
	_ =	sdelay $0x3  }
0x9a: {  	_ =	strace s4  }
0x9b: {  	s4 =	sld [smem:$0x3FFD];
	_ =	sdelay $0x3  }
0x9c: {  	_ =	strace s4  }
0x9d: {  	_ =	strace $0x8FFFFFFF  }
0x9e: {  	s19 =	sld [smem:$0x3FDB];
	_ =	sdelay $0x1  }
0x9f: {  	s5 =	simm.s32 $_scs_section_size  }
0xa0: {  	s6 =	simm.s32 $_size__tile_overlayer_lowered;
	s7 =	simm.s32 $_tile_overlayer_lowered  }
0xa1: {  	s22 =	simm.s32 $0x1BFF;
	s21 =	sshll.u32 s7, $0x1;
	s4 =	sadd.s32 s5, s19  }
0xa2: {  	s8 =	simm.s32 $0x0;
	s20 =	sshll.u32 s6, $0x1;
	s6 =	sadd.s32 s21, s4  }
0xa3: {  	[timem:s8], [sflag:s22] =	dma.local [hbm:s6], s20  }
0xa4: {  	_ =	swait.ge [sflag:s22], s20  }
0xa5: {  	s5 =	ssub.s32 $0x0, s20;
	[sflag:s22] =	ssyncset.done $0x0  }
0xa6: {  	[sflag:s22] =	ssyncadd.s32 s5;
	_ =	sdelay $0x1  }
0xa7: {  	s23 =	simm.s32 $0x1B8B  }
0xa8: {  	_ =	swait.ge [sflag:s23], $0x1  }
0xa9: {  	[sflag:s23] =	ssyncset.done $0x0  }
0xaa: {  	s25 =	simm.s32 $0x1B8E;
	s24 =	sld [smem:$0x3FFE];
	[sflag:s23] =	ssyncadd.s32 $0xFFFFFFFF  }
0xab: {  	s26 =	simm.s32 $execute0_lowered;
	[smem:$0x3FD2] =	sst s25  }
0xac: {  	s6 =	sshll.u32 s26, $0x1;
	_ =	strace $0x80000046;
	[dreg:$0x1] =	wrdreg $0xFFFFFFFF  }
0xad: {  	s28 =	simm.s32 $_size_execute0_lowered;
	s4 =	sadd.s32 s4, s6;
	[dreg:$0x0] =	wrdreg $0x0  }
0xae: {  	s6 =	sshll.u32 s28, $0x1;
	[dreg:$0x2] =	wrdreg s4  }
0xaf: {  	[dreg:$0x3] =	wrdreg s6  }
0xb0: {  	[dreg:$0x4] =	wrdreg $0xC0  }
0xb1: {  	_ =	task [dreg:s8], $0x5FFFF  }
0xb2: {  	[dreg:$0x1] =	wrdreg $0xFFFFFFFF  }
0xb3: {  	[dreg:$0x0] =	wrdreg $0x60  }
0xb4: {  	[dreg:$0x2] =	wrdreg s24  }
0xb5: {  	[dreg:$0x3] =	wrdreg s16  }
0xb6: {  	[dreg:$0x4] =	wrdreg s17  }
0xb7: {  	[dreg:$0x5] =	wrdreg $0x9  }
0xb8: {  	_ =	task.clear_ibuf [dreg:s8], $0x6FFFF;
	_ =	strace $0x90000046  }
0xb9: {  	s29 =	simm.s32 $0x9;
	_ =	strace $0x80000048  }
0xba: {  	_ =	swait.ge [sflag:s29], $0x1  }
0xbb: {  	[sflag:s29] =	ssyncadd.s32 $0xFFFFFFFF  }
0xbc: {  	_ =	strace $0x90000048  }
0xbd: {  	_ =	sfence  }
0xbe: {  	s30 =	sld [smem:$0x0];
	_ =	sdelay $0x2  }
0xbf: {  	s31 =	sshll.u32 s1, $0xD;
	s1 =	sshrl.u32 s1, $0x2  }
0xc0: {  	s3 =	sand.u32 $0x4000, s31;
	s1 =	sadd.s32 s1, s30  }
0xc1: {  	s0 =	sor.u32 s3, s0;
	s1 =	sshll.u32 s1, $0x11  }
0xc2: {  	s0 =	sor.u32 s1, s0  }
0xc3: {  	s0 =	sadd.s32 $0x8F2B, s0  }
0xc4: {  	[sflag:s0] =	ssyncadd.remote.s32 $0x1  }
0xc5: {  	_ =	sfence.sel $0xFFFF  }
0xc6: {  	[dreg:$0x0] =	wrdreg $0xFFFFFFFF;
	(pc) =	sbr.abs _section_cstart, $3  }
0xc7: {  	[dreg:$0x1] =	wrdreg $0xFFFFFFFF  }
0xc8: {  	_ =	task.clear_ibuf [dreg:s8], $0x2FFFF;
	_ =	strace $0x9FFFFFFF  }
0xc9: {  	(tm) =	ssettm $0x7FFFFFFF  }
tec
execute0_lowered:
.L_overlay_start_1:
0x0: {  	(tag) =	ssettag $0x1  }
0x1: {  	s4 =	rddreg [dreg:$0x0]  }
0x2: {  	s5 =	rddreg [dreg:$0x1]  }
0x3: {  	s6 =	rddreg [dreg:$0x2]  }
0x4: {  	s0 =	rddreg [dreg:$0x3]  }
0x5: {  	s3 =	srdreg.scid;
	s2 =	simm.s32 $0x0;
	s1 =	stileid.u32  }
0x6: {  	s10 =	simm.s32 $0x40;
	s11 =	simm.s32 $0x2040;
	s12 =	simm.s32 $0x1  }
0x7: {  	s13 =	simm.s32 $0x2;
	s14 =	simm.s32 $0x0;
	s7 =	sand.u32 $0x1, s3  }
0x8: {  	[smem:$0x7FF] =	sst s2;
	s30 =	sshll.u32 s1, $0x6;
	s8 =	sshll.u32 s7, $0x5  }
0x9: {  	s3 =	sadd.s32 $0x1600, s4;
	s7 =	ssub.s32 $0x2, s7;
	s8 =	sor.u32 s8, s30  }
0xa: {  	_ =	strace $0x80000047;
	s31 =	sshrl.u32 s7, $0x1;
	s9 =	sshll.u32 s8, $0x5  }
0xb: {  	s8 =	sshrl.u32 s8, $0x3;
	s7 =	ssub.s32 s7, s31;
	s9 =	sadd.s32 s9, s4  }
0xc: {  	s4 =	sadd.s32 s5, s8;
	s5 =	sadd.s32 s6, s8;
	s7 =	smax.u32 s7, $0x1  }
0xd: {  	s8 =	simm.s32 $0x3;
	s6 =	sadd.s32 $0x11600, s9;
	s9 =	simm.s32 $0x20  }
.LBB2_1:
0xe: {  	[tilespmem:s2], [sflag:$0x3] =	stream.linear.gather [hbm4b:s4+s2], $0x20, $0x38;
	[tilespmem:$0x4040] =	vst v63  }
0xf: {  	_ =	swait.ge [sflag:s8], $0x20  }
0x10: {  	[sflag:s8] =	ssyncset.done $0x0  }
0x11: {  	[sflag:s8] =	ssyncadd.s32 $0xFFFFFFE0  }
0x12: {  	[tilespmem:s9], [sflag:$0x3] =	stream.linear.gather [hbm4b:s5+s2], $0x20, $0x38;
	[tilespmem:$0x4040] =	vst v63  }
0x13: {  	_ =	swait.ge [sflag:s8], $0x20  }
0x14: {  	[sflag:s8] =	ssyncset.done $0x0  }
0x15: {  	[sflag:s8] =	ssyncadd.s32 $0xFFFFFFE0  }
0x16: {  	[tilespmem:s10], [sflag:$0x1] =	stream.indirect.gather [hbm4b:s3+s9], $0x100, s2, s9, $0xb8;
	[tilespmem:$0x4040] =	vst v63  }
0x17: {  	_ = 	snop  }
0x18: {  	[tilespmem:s11], [sflag:$0x2] =	stream.indirect.gather [hbm4b:s3+s9], $0x100, s9, s9, $0xb8;
	[tilespmem:$0x4040] =	vst v63  }
0x19: {  	_ =	swait.ge [sflag:s12], $0x2000  }
0x1a: {  	[sflag:s12] =	ssyncset.done $0x0  }
0x1b: {  	[sflag:s12] =	ssyncadd.s32 $0xFFFFE000  }
0x1c: {  	_ =	swait.ge [sflag:s13], $0x2000  }
0x1d: {  	[sflag:s13] =	ssyncset.done $0x0  }
0x1e: {  	s15 =	simm.s32 $0x0;
	[sflag:s13] =	ssyncadd.s32 $0xFFFFE000  }
0x1f: {  	v6 =	vld [tilespmem:s15+$0x2040]  }
0x20: {  	v7 =	vld [tilespmem:s15+$0x2050]  }
0x21: {  	v8 =	vld [tilespmem:s15+$0x2060]  }
0x22: {  	v9 =	vld [tilespmem:s15+$0x2070]  }
0x23: {  	v10 =	vld [tilespmem:s15+$0x2080]  }
0x24: {  	v11 =	vld [tilespmem:s15+$0x2090]  }
0x25: {  	v12 =	vld [tilespmem:s15+$0x20A0]  }
0x26: {  	v13 =	vld [tilespmem:s15+$0x20B0]  }
0x27: {  	v14 =	vld [tilespmem:s15+$0x20C0]  }
0x28: {  	v15 =	vld [tilespmem:s15+$0x20D0]  }
0x29: {  	v5 =	vld [tilespmem:s15+$0x20E0]  }
0x2a: {  	v4 =	vld [tilespmem:s15+$0x20F0]  }
0x2b: {  	v3 =	vld [tilespmem:s15+$0x2100]  }
0x2c: {  	v2 =	vld [tilespmem:s15+$0x2110]  }
0x2d: {  	v1 =	vld [tilespmem:s15+$0x2120]  }
0x2e: {  	v0 =	vld [tilespmem:s15+$0x2130]  }
0x2f: {  	v16 =	vld [tilespmem:s15+$0x40]  }
0x30: {  	v17 =	vld [tilespmem:s15+$0x50]  }
0x31: {  	v18 =	vld [tilespmem:s15+$0x60]  }
0x32: {  	v19 =	vld [tilespmem:s15+$0x70]  }
0x33: {  	v20 =	vld [tilespmem:s15+$0x80]  }
0x34: {  	v60 =	vld [tilespmem:s15+$0x90];
	v6 =	vadd.f32 v6, v16  }
0x35: {  	v21 =	vld [tilespmem:s15+$0xA0];
	v7 =	vadd.f32 v7, v17  }
0x36: {  	v61 =	vld [tilespmem:s15+$0xB0];
	[tilespmem:s15+$0x40] =	vst v6;
	v6 =	vadd.f32 v8, v18  }
0x37: {  	v62 =	vld [tilespmem:s15+$0xC0];
	[tilespmem:s15+$0x50] =	vst v7;
	v7 =	vadd.f32 v9, v19  }
0x38: {  	v63 =	vld [tilespmem:s15+$0xD0];
	[tilespmem:s15+$0x60] =	vst v6;
	v6 =	vadd.f32 v10, v20  }
0x39: {  	v8 =	vadd.f32 v11, v60;
	[tilespmem:s15+$0x70] =	vst v7;
	v7 =	vld [tilespmem:s15+$0xE0]  }
0x3a: {  	v9 =	vadd.f32 v12, v21;
	[tilespmem:s15+$0x80] =	vst v6;
	v6 =	vld [tilespmem:s15+$0xF0]  }
0x3b: {  	[tilespmem:s15+$0x90] =	vst v8;
	v8 =	vld [tilespmem:s15+$0x100];
	v10 =	vadd.f32 v13, v61  }
0x3c: {  	v12 =	vadd.f32 v14, v62;
	[tilespmem:s15+$0xA0] =	vst v9;
	v9 =	vld [tilespmem:s15+$0x110]  }
0x3d: {  	s16 =	simm.s32 $0x400;
	v11 =	vadd.f32 v15, v63;
	[tilespmem:s15+$0xB0] =	vst v10;
	v10 =	vld [tilespmem:s15+$0x120]  }
.LBB2_2:
0x3e: {  	s17 =	sshra.s32 s16, $0x2;
	p0 =	sne.s32 s16, $0x7C00;
	[tilespmem:s15+$0xC0] =	vst v12;
	v5 =	vadd.f32 v5, v7;
	v7 =	vld [tilespmem:s15+$0x130]  }
0x3f: {  	v12 =	vld [tilespmem:s17+$0x2040];
	[tilespmem:s15+$0xD0] =	vst v11;
	v4 =	vadd.f32 v4, v6  }
0x40: {  	v6 =	vld [tilespmem:s17+$0x2050];
	[tilespmem:s15+$0xE0] =	vst v5;
	v3 =	vadd.f32 v3, v8  }
0x41: {  	v8 =	vld [tilespmem:s17+$0x2060];
	[tilespmem:s15+$0xF0] =	vst v4;
	v2 =	vadd.f32 v2, v9  }
0x42: {  	v9 =	vld [tilespmem:s17+$0x2070];
	[tilespmem:s15+$0x100] =	vst v3;
	v1 =	vadd.f32 v1, v10  }
0x43: {  	v10 =	vld [tilespmem:s17+$0x2080];
	[tilespmem:s15+$0x110] =	vst v2;
	v0 =	vadd.f32 v0, v7  }
0x44: {  	v7 =	vld [tilespmem:s17+$0x2090];
	[tilespmem:s15+$0x120] =	vst v1  }
0x45: {  	v11 =	vld [tilespmem:s17+$0x20A0];
	[tilespmem:s15+$0x130] =	vst v0;
	s15 =	smov.u32 s17  }
0x46: {  	v13 =	vld [tilespmem:s15+$0x20B0]  }
0x47: {  	v14 =	vld [tilespmem:s15+$0x20C0]  }
0x48: {  	v15 =	vld [tilespmem:s15+$0x20D0]  }
0x49: {  	v5 =	vld [tilespmem:s15+$0x20E0]  }
0x4a: {  	v4 =	vld [tilespmem:s15+$0x20F0]  }
0x4b: {  	v3 =	vld [tilespmem:s15+$0x2100]  }
0x4c: {  	v2 =	vld [tilespmem:s15+$0x2110]  }
0x4d: {  	v1 =	vld [tilespmem:s15+$0x2120]  }
0x4e: {  	v0 =	vld [tilespmem:s15+$0x2130]  }
0x4f: {  	v16 =	vld [tilespmem:s15+$0x40]  }
0x50: {  	v17 =	vld [tilespmem:s15+$0x50]  }
0x51: {  	v18 =	vld [tilespmem:s15+$0x60]  }
0x52: {  	v19 =	vld [tilespmem:s15+$0x70]  }
0x53: {  	v20 =	vld [tilespmem:s15+$0x80]  }
0x54: {  	v12 =	vadd.f32 v12, v16;
	v16 =	vld [tilespmem:s15+$0x90]  }
0x55: {  	v6 =	vadd.f32 v6, v17;
	v17 =	vld [tilespmem:s15+$0xA0]  }
0x56: {  	[tilespmem:s15+$0x40] =	vst v12;
	v8 =	vadd.f32 v8, v18;
	v12 =	vld [tilespmem:s15+$0xB0]  }
0x57: {  	[tilespmem:s15+$0x50] =	vst v6;
	v6 =	vadd.f32 v9, v19;
	v9 =	vld [tilespmem:s15+$0xC0]  }
0x58: {  	[tilespmem:s15+$0x60] =	vst v8;
	v8 =	vadd.f32 v10, v20;
	v10 =	vld [tilespmem:s15+$0xD0]  }
.Ltmp0:
0x59: {  	[tilespmem:s15+$0x70] =	vst v6;
	v16 =	vadd.f32 v7, v16;
	v7 =	vld [tilespmem:s15+$0xE0];
	(pc) =	sbr.rel @p0 .LBB2_2-.Ltmp0, $4  }
0x5a: {  	[tilespmem:s15+$0x80] =	vst v8;
	v11 =	vadd.f32 v11, v17;
	v6 =	vld [tilespmem:s15+$0xF0]  }
0x5b: {  	[tilespmem:s15+$0x90] =	vst v16;
	v13 =	vadd.f32 v13, v12;
	v8 =	vld [tilespmem:s15+$0x100]  }
0x5c: {  	[tilespmem:s15+$0xA0] =	vst v11;
	v12 =	vadd.f32 v14, v9;
	v9 =	vld [tilespmem:s15+$0x110]  }
0x5d: {  	s16 =	sadd.s32 $0x400, s16;
	[tilespmem:s15+$0xB0] =	vst v13;
	v11 =	vadd.f32 v15, v10;
	v10 =	vld [tilespmem:s15+$0x120]  }
0x5e: {  	[tilespmem:s15+$0xC0] =	vst v12;
	v5 =	vadd.f32 v5, v7;
	v63 =	vld [tilespmem:s15+$0x130]  }
0x5f: {  	[tilespmem:s15+$0xD0] =	vst v11;
	v4 =	vadd.f32 v4, v6  }
0x60: {  	[tilespmem:s15+$0xE0] =	vst v5;
	v3 =	vadd.f32 v3, v8  }
0x61: {  	[tilespmem:s15+$0xF0] =	vst v4;
	v2 =	vadd.f32 v2, v9  }
0x62: {  	[tilespmem:s15+$0x100] =	vst v3;
	v1 =	vadd.f32 v1, v10  }
0x63: {  	s14 =	sadd.s32 $0x1, s14;
	[tilespmem:s15+$0x110] =	vst v2;
	v0 =	vadd.f32 v0, v63  }
0x64: {  	p0 =	sne.s32 s14, s7;
	[tilespmem:s15+$0x120] =	vst v1  }
.Ltmp1:
0x65: {  	[tilespmem:s15+$0x130] =	vst v0;
	(pc) =	sbr.rel @p0 .LBB2_1-.Ltmp1, $4  }
0x66: {  	[hbm4b:s6+s2] =	stream.linear.scatter [tilespmem:s10], [sflag:$0x3], $0x2000, $0x38;
	[tilespmem:$0x4040] =	vst v63  }
0x67: {  	_ =	swait.ge [sflag:s8], $0x2000  }
0x68: {  	[sflag:s8] =	ssyncset.done $0x0  }
0x69: {  	[sflag:s8] =	ssyncadd.s32 $0xFFFFE000  }
0x6a: {  	_ =	sfence.sel $0x180000  }
0x6b: {  	[bflag:$0x0] =	sbarrier.arrive $0xFFFF  }
0x6c: {  	p0 =	sne.s32 s1, $0x0;
	_ =	strace $0x90000047  }
0x6d: {  	s0 =	sadd.s32 @!p0 $0x100000, s0;
	[bflag:$0x2] =	sbarrier.arrive $0xFFFF  }
0x6e: {  	[sflag:s0] =	ssyncadd.tile.s32 @!p0 $0x1;
	_ =	shalt  }
.Lfunc_end2:
_tile_overlayer_lowered:
.L_overlay_start_2:
0x6f: {  	(tag) =	ssettag $0x2  }
0x70: {  	s0 =	rddreg [dreg:$0x0];
	s2 =	stileid.u32  }
0x71: {  	s1 =	rddreg [dreg:$0x1];
	p0 =	sne.s32 s2, $0x0  }
0x72: {  	s3 =	rddreg [dreg:$0x2];
	[bflag:$0x3] =	sbarrier.arrive $0xFFFF;
	s2 =	simm.s32 @!p0 $0x1C03  }
0x73: {  	[timem:s3], [sflag:s2] =	dma.local @!p0 [hbm:s0], s1  }
0x74: {  	s0 =	simm.s32 @!p0 $0x3  }
0x75: {  	_ =	swait.ge @!p0 [sflag:s0], s1  }
0x76: {  	s1 =	ssub.s32 @!p0 $0x0, s1;
	[sflag:s0] =	ssyncset.done @!p0 $0x0  }
0x77: {  	[sflag:s0] =	ssyncadd.s32 @!p0 s1  }
0x78: {  	[bflag:$0x3] =	sbarrier.arrive $0xFFFF  }
0x79: {  	_ =	shalt  }

</sc_bundles>
